<compile_context>
chip_gen: v7x
topology: tpu7x:2x2x1
jax: 0.10.2.dev20260603
libtpu: 0.0.44.dev20260713+nightly
codegen_flags: <defaults>
</compile_context>

<pallas_src>
import functools

import jax
import jax.numpy as jnp
from jax import lax
from jax.experimental import pallas as pl
from jax.experimental.pallas import tpu as pltpu
from jax.experimental.pallas import tpu_sc as plsc

_D = 128
_B = 10
_NC, _NS, _L = 2, 16, 16
_NW = _NC * _NS
_RPW = _D // _NW
_JC = _D // _L


def _sc_body(lw_hbm, rw_hbm, li_hbm, ri_hbm,
             lwb_hbm, rwb_hbm, lib_hbm, rib_hbm, out_hbm,
             lw_v, rw_v, li_v, ri_v, lw_s, rw_s, li_s, ri_s, out_v):
    wid = lax.axis_index("s") * _NC + lax.axis_index("c")
    base = wid * _RPW
    pltpu.sync_copy(lw_hbm, lw_v)
    pltpu.sync_copy(rw_hbm, rw_v)
    pltpu.sync_copy(li_hbm, li_v)
    pltpu.sync_copy(ri_hbm, ri_v)
    nsc = _RPW * _B * _L
    pltpu.sync_copy(lwb_hbm.at[pl.ds(wid * nsc, nsc)], lw_s)
    pltpu.sync_copy(rwb_hbm.at[pl.ds(wid * nsc, nsc)], rw_s)
    pltpu.sync_copy(lib_hbm.at[pl.ds(wid * nsc, nsc)], li_s)
    pltpu.sync_copy(rib_hbm.at[pl.ds(wid * nsc, nsc)], ri_s)

    acc = [jnp.zeros((_L,), jnp.float32) for _ in range(_RPW * _JC)]
    for b in range(_B):
        jl = [li_v[pl.ds(b * _D + jc * _L, _L)] for jc in range(_JC)]
        jr = [ri_v[pl.ds(b * _D + jc * _L, _L)] for jc in range(_JC)]
        wl = [lw_v[pl.ds(b * _D + jc * _L, _L)] for jc in range(_JC)]
        wr = [rw_v[pl.ds(b * _D + jc * _L, _L)] for jc in range(_JC)]
        for r in range(_RPW):
            so = (r * _B + b) * _L
            s_li = li_s[pl.ds(so, _L)]
            s_ri = ri_s[pl.ds(so, _L)]
            s_lw = lw_s[pl.ds(so, _L)]
            s_rw = rw_s[pl.ds(so, _L)]
            for jc in range(_JC):
                a = acc[r * _JC + jc]
                a = a + jnp.where(s_li == jl[jc], s_lw * wl[jc], 0.0)
                a = a + jnp.where(s_li == jr[jc], s_lw * wr[jc], 0.0)
                a = a + jnp.where(s_ri == jl[jc], s_rw * wl[jc], 0.0)
                a = a + jnp.where(s_ri == jr[jc], s_rw * wr[jc], 0.0)
                acc[r * _JC + jc] = a

    for r in range(_RPW):
        for jc in range(_JC):
            out_v[r, pl.ds(jc * _L, _L)] = acc[r * _JC + jc]
    pltpu.sync_copy(out_v, out_hbm.at[pl.ds(base, _RPW)])


@functools.partial(jax.jit, static_argnums=())
def _kernel_sc(left_w, right_w, left_idx, right_idx):
    lw_t = left_w.T.reshape(-1)
    rw_t = right_w.T.reshape(-1)
    li_t = left_idx.T.reshape(-1)
    ri_t = right_idx.T.reshape(-1)
    rep = lambda x: jnp.broadcast_to(x[:, :, None], (_D, _B, _L)).reshape(-1)
    lw_b = rep(left_w)
    rw_b = rep(right_w)
    li_b = rep(left_idx)
    ri_b = rep(right_idx)
    nsc = _RPW * _B * _L
    run = pl.kernel(
        _sc_body,
        out_type=jax.ShapeDtypeStruct((_D, _D), jnp.float32),
        mesh=plsc.VectorSubcoreMesh(core_axis_name="c", subcore_axis_name="s",
                                    num_cores=_NC, num_subcores=_NS),
        scratch_types=[
            pltpu.VMEM((_B * _D,), jnp.float32),
            pltpu.VMEM((_B * _D,), jnp.float32),
            pltpu.VMEM((_B * _D,), jnp.int32),
            pltpu.VMEM((_B * _D,), jnp.int32),
            pltpu.VMEM((nsc,), jnp.float32),
            pltpu.VMEM((nsc,), jnp.float32),
            pltpu.VMEM((nsc,), jnp.int32),
            pltpu.VMEM((nsc,), jnp.int32),
            pltpu.VMEM((_RPW, _D), jnp.float32),
        ],
    )
    return run(lw_t, rw_t, li_t, ri_t, lw_b, rw_b, li_b, ri_b)


def _jjt_tc_body(lw_ref, rw_ref, li_ref, ri_ref,
                 lwt_ref, rwt_ref, lit_ref, rit_ref, out_ref):
    acc = jnp.zeros((_D, _D), dtype=jnp.float32)
    for b in range(_B):
        li_c = li_ref[:, b:b + 1]
        ri_c = ri_ref[:, b:b + 1]
        lw_c = lw_ref[:, b:b + 1]
        rw_c = rw_ref[:, b:b + 1]
        li_r = lit_ref[b:b + 1, :]
        ri_r = rit_ref[b:b + 1, :]
        lw_r = lwt_ref[b:b + 1, :]
        rw_r = rwt_ref[b:b + 1, :]
        acc += jnp.where(li_c == li_r, lw_c * lw_r, 0.0)
        acc += jnp.where(li_c == ri_r, lw_c * rw_r, 0.0)
        acc += jnp.where(ri_c == li_r, rw_c * lw_r, 0.0)
        acc += jnp.where(ri_c == ri_r, rw_c * rw_r, 0.0)
    out_ref[:, :] = acc


def _kernel_tc(left_w, right_w, left_idx, right_idx):
    args = (left_w, right_w, left_idx, right_idx,
            left_w.T, right_w.T, left_idx.T, right_idx.T)
    return pl.pallas_call(
        _jjt_tc_body,
        out_shape=jax.ShapeDtypeStruct((_D, _D), jnp.float32),
    )(*args)


def _sc_floor_body(lw_hbm, out_hbm, out_v):
    wid = lax.axis_index("s") * _NC + lax.axis_index("c")
    base = wid * _RPW
    for r in range(_RPW):
        for jc in range(_JC):
            out_v[r, pl.ds(jc * _L, _L)] = jnp.zeros((_L,), jnp.float32)
    pltpu.sync_copy(out_v, out_hbm.at[pl.ds(base, _RPW)])


def _kernel_sc_floor(left_w, right_w, left_idx, right_idx):
    run = pl.kernel(
        _sc_floor_body,
        out_type=jax.ShapeDtypeStruct((_D, _D), jnp.float32),
        mesh=plsc.VectorSubcoreMesh(core_axis_name="c", subcore_axis_name="s",
                                    num_cores=_NC, num_subcores=_NS),
        scratch_types=[
            pltpu.VMEM((_RPW, _D), jnp.float32),
        ],
    )
    return run(left_w.reshape(-1))


def kernel(left_w, right_w, left_idx, right_idx):
    return _kernel_sc_floor(left_w, right_w, left_idx, right_idx)

# --- scband reference (transcript-rebuilt; emitter-appended) ---
"""Pipeline reference for scband-fourier-grid-1726576856417 (READ-ONLY COPY).

The authoritative reference and input builder live on the scoring server;
editing this copy changes nothing except your own understanding.
"""

import jax, jax.numpy as jnp
import numpy as np

GRID_LEN = 1000
BAND_NUM = 10
DATA_POINT_NUM = 128


def _gamma_x_i(x, i):
    # NOTE: faithful to the original buggy expression (2 ^ i // 2) which is
    # XOR, i.e. 2 XOR (i // 2), NOT exponentiation.
    if i % 2 == 0:
        raw = np.sin((2 ^ (i // 2)) * np.pi * x)
    else:
        raw = np.cos((2 ^ (i // 2)) * np.pi * x)
    return (raw + 1.0) / 2.0


def _build_tables():
    D, B, G = DATA_POINT_NUM, BAND_NUM, GRID_LEN
    left_idx = np.zeros((D, B), dtype=np.int32)
    right_idx = np.zeros((D, B), dtype=np.int32)
    left_w = np.zeros((D, B), dtype=np.float32)
    right_w = np.zeros((D, B), dtype=np.float32)
    for idx in range(D):
        real_x = idx / D
        for jdx in range(B):
            fourier = _gamma_x_i(real_x, jdx)
            # float64 floor semantics identical to original int(fourier // (1/G))
            lg = int(fourier // (1.0 / G))
            rg = lg + 1
            if lg > 0:
                left_idx[idx, jdx] = G * jdx + lg
                left_w[idx, jdx] = abs(fourier - rg * 1.0 / G) * G
            # else: original writes nothing -> weight stays 0, index 0 is a safe clamp
            if rg < G:
                right_idx[idx, jdx] = G * jdx + rg
                right_w[idx, jdx] = abs(fourier - lg * 1.0 / G) * G
    return left_idx, right_idx, left_w, right_w


def setup_inputs() -> dict:
    li, ri, lw, rw = _build_tables()
    return {
        "left_w": jnp.asarray(lw),
        "right_w": jnp.asarray(rw),
        "left_idx": jnp.asarray(li),
        "right_idx": jnp.asarray(ri),
    }


def reference(left_w, right_w, left_idx, right_idx):
    D, B = left_w.shape
    GB = GRID_LEN * BAND_NUM
    rows = jnp.repeat(jnp.arange(D, dtype=jnp.int32), B)
    J = jnp.zeros((D, GB), dtype=jnp.float32)
    # scatter the linear-interpolation weights into the sparse jacobian
    # (no collisions: each (point, band) owns two distinct columns in its band,
    #  so .add reproduces the original assignment semantics; masked-out entries
    #  add 0.0 at clamped index 0)
    J = J.at[rows, left_idx.ravel()].add(left_w.ravel())
    J = J.at[rows, right_idx.ravel()].add(right_w.ravel())
    # result_matrix = J @ J^T
    return jnp.matmul(J, J.T)

if __name__ == "__main__":
    import jax
    _d = setup_inputs()
    print(jax.jit(kernel)(*tuple(_d.values())))

</pallas_src>

<mosaic_0001>
#map = affine_map<(d0, d1) -> (0)>
#map1 = affine_map<(d0, d1) -> (0, 0)>
module attributes {stable_mosaic.version = 14 : i64} {
  func.func @_sc_floor_body(%arg0: i32, %arg1: i32, %arg2: memref<1280xf32, #tpu.memory_space<hbm>>, %arg3: memref<128x128xf32, #tpu.memory_space<hbm>>, %arg4: memref<4x128xf32, #tpu.memory_space<vmem>>) attributes {dimension_semantics = [#tpu.dimension_semantics<core_parallel>, #tpu.dimension_semantics<subcore_parallel>], iteration_bounds = array<i64: 2, 16>, scalar_prefetch = 0 : i64, scratch_operands = 1 : i64, tpu.core_type = #tpu.core_type<sc_vector_subcore>, window_params = [{transform_indices = #map}, {transform_indices = #map1}]} {
    %mul3A = arith.constant 2 : i32
    %mul3A_0 = arith.muli %arg1, %mul3A : i32
    %add3A = arith.addi %mul3A_0, %arg0 : i32
    %mul3A_1 = arith.constant 4 : i32
    %mul3A_2 = arith.muli %add3A, %mul3A_1 : i32
    %broadcast_in_dim3A = arith.constant 0.000000e+00 : f32
    %broadcast_in_dim3A_3 = vector.broadcast %broadcast_in_dim3A : f32 to vector<16xf32>
    %swap3A = arith.constant 0 : i32
    %swap3A_4 = arith.index_cast %swap3A : i32 to index
    %swap3A_5 = arith.constant 0 : index
    %swap3A_6 = tpu.vector_load %arg4[%swap3A_4, %swap3A_5] {strides = array<i32>} : memref<4x128xf32, #tpu.memory_space<vmem>>, vector<1x16xf32>,
    %swap3A_7 = vector.shape_cast %swap3A_6 : vector<1x16xf32> to vector<16xf32>
    %swap3A_8 = vector.shape_cast %broadcast_in_dim3A_3 : vector<16xf32> to vector<1x16xf32>
    tpu.vector_store %arg4[%swap3A_4, %swap3A_5], %swap3A_8 {strides = array<i32>} : memref<4x128xf32, #tpu.memory_space<vmem>>, vector<1x16xf32>,
    %broadcast_in_dim3A_9 = arith.constant 0.000000e+00 : f32
    %broadcast_in_dim3A_10 = vector.broadcast %broadcast_in_dim3A_9 : f32 to vector<16xf32>
    %swap3A_11 = arith.constant 0 : i32
    %swap3A_12 = arith.index_cast %swap3A_11 : i32 to index
    %swap3A_13 = arith.constant 16 : index
    %swap3A_14 = tpu.vector_load %arg4[%swap3A_12, %swap3A_13] {strides = array<i32>} : memref<4x128xf32, #tpu.memory_space<vmem>>, vector<1x16xf32>,
    %swap3A_15 = vector.shape_cast %swap3A_14 : vector<1x16xf32> to vector<16xf32>
    %swap3A_16 = vector.shape_cast %broadcast_in_dim3A_10 : vector<16xf32> to vector<1x16xf32>
    tpu.vector_store %arg4[%swap3A_12, %swap3A_13], %swap3A_16 {strides = array<i32>} : memref<4x128xf32, #tpu.memory_space<vmem>>, vector<1x16xf32>,
    %broadcast_in_dim3A_17 = arith.constant 0.000000e+00 : f32
    %broadcast_in_dim3A_18 = vector.broadcast %broadcast_in_dim3A_17 : f32 to vector<16xf32>
    %swap3A_19 = arith.constant 0 : i32
    %swap3A_20 = arith.index_cast %swap3A_19 : i32 to index
    %swap3A_21 = arith.constant 32 : index
    %swap3A_22 = tpu.vector_load %arg4[%swap3A_20, %swap3A_21] {strides = array<i32>} : memref<4x128xf32, #tpu.memory_space<vmem>>, vector<1x16xf32>,
    %swap3A_23 = vector.shape_cast %swap3A_22 : vector<1x16xf32> to vector<16xf32>
    %swap3A_24 = vector.shape_cast %broadcast_in_dim3A_18 : vector<16xf32> to vector<1x16xf32>
    tpu.vector_store %arg4[%swap3A_20, %swap3A_21], %swap3A_24 {strides = array<i32>} : memref<4x128xf32, #tpu.memory_space<vmem>>, vector<1x16xf32>,
    %broadcast_in_dim3A_25 = arith.constant 0.000000e+00 : f32
    %broadcast_in_dim3A_26 = vector.broadcast %broadcast_in_dim3A_25 : f32 to vector<16xf32>
    %swap3A_27 = arith.constant 0 : i32
    %swap3A_28 = arith.index_cast %swap3A_27 : i32 to index
    %swap3A_29 = arith.constant 48 : index
    %swap3A_30 = tpu.vector_load %arg4[%swap3A_28, %swap3A_29] {strides = array<i32>} : memref<4x128xf32, #tpu.memory_space<vmem>>, vector<1x16xf32>,
    %swap3A_31 = vector.shape_cast %swap3A_30 : vector<1x16xf32> to vector<16xf32>
    %swap3A_32 = vector.shape_cast %broadcast_in_dim3A_26 : vector<16xf32> to vector<1x16xf32>
    tpu.vector_store %arg4[%swap3A_28, %swap3A_29], %swap3A_32 {strides = array<i32>} : memref<4x128xf32, #tpu.memory_space<vmem>>, vector<1x16xf32>,
    %broadcast_in_dim3A_33 = arith.constant 0.000000e+00 : f32
    %broadcast_in_dim3A_34 = vector.broadcast %broadcast_in_dim3A_33 : f32 to vector<16xf32>
    %swap3A_35 = arith.constant 0 : i32
    %swap3A_36 = arith.index_cast %swap3A_35 : i32 to index
    %swap3A_37 = arith.constant 64 : index
    %swap3A_38 = tpu.vector_load %arg4[%swap3A_36, %swap3A_37] {strides = array<i32>} : memref<4x128xf32, #tpu.memory_space<vmem>>, vector<1x16xf32>,
    %swap3A_39 = vector.shape_cast %swap3A_38 : vector<1x16xf32> to vector<16xf32>
    %swap3A_40 = vector.shape_cast %broadcast_in_dim3A_34 : vector<16xf32> to vector<1x16xf32>
    tpu.vector_store %arg4[%swap3A_36, %swap3A_37], %swap3A_40 {strides = array<i32>} : memref<4x128xf32, #tpu.memory_space<vmem>>, vector<1x16xf32>,
    %broadcast_in_dim3A_41 = arith.constant 0.000000e+00 : f32
    %broadcast_in_dim3A_42 = vector.broadcast %broadcast_in_dim3A_41 : f32 to vector<16xf32>
    %swap3A_43 = arith.constant 0 : i32
    %swap3A_44 = arith.index_cast %swap3A_43 : i32 to index
    %swap3A_45 = arith.constant 80 : index
    %swap3A_46 = tpu.vector_load %arg4[%swap3A_44, %swap3A_45] {strides = array<i32>} : memref<4x128xf32, #tpu.memory_space<vmem>>, vector<1x16xf32>,
    %swap3A_47 = vector.shape_cast %swap3A_46 : vector<1x16xf32> to vector<16xf32>
    %swap3A_48 = vector.shape_cast %broadcast_in_dim3A_42 : vector<16xf32> to vector<1x16xf32>
    tpu.vector_store %arg4[%swap3A_44, %swap3A_45], %swap3A_48 {strides = array<i32>} : memref<4x128xf32, #tpu.memory_space<vmem>>, vector<1x16xf32>,
    %broadcast_in_dim3A_49 = arith.constant 0.000000e+00 : f32
    %broadcast_in_dim3A_50 = vector.broadcast %broadcast_in_dim3A_49 : f32 to vector<16xf32>
    %swap3A_51 = arith.constant 0 : i32
    %swap3A_52 = arith.index_cast %swap3A_51 : i32 to index
    %swap3A_53 = arith.constant 96 : index
    %swap3A_54 = tpu.vector_load %arg4[%swap3A_52, %swap3A_53] {strides = array<i32>} : memref<4x128xf32, #tpu.memory_space<vmem>>, vector<1x16xf32>,
    %swap3A_55 = vector.shape_cast %swap3A_54 : vector<1x16xf32> to vector<16xf32>
    %swap3A_56 = vector.shape_cast %broadcast_in_dim3A_50 : vector<16xf32> to vector<1x16xf32>
    tpu.vector_store %arg4[%swap3A_52, %swap3A_53], %swap3A_56 {strides = array<i32>} : memref<4x128xf32, #tpu.memory_space<vmem>>, vector<1x16xf32>,
    %broadcast_in_dim3A_57 = arith.constant 0.000000e+00 : f32
    %broadcast_in_dim3A_58 = vector.broadcast %broadcast_in_dim3A_57 : f32 to vector<16xf32>
    %swap3A_59 = arith.constant 0 : i32
    %swap3A_60 = arith.index_cast %swap3A_59 : i32 to index
    %swap3A_61 = arith.constant 112 : index
    %swap3A_62 = tpu.vector_load %arg4[%swap3A_60, %swap3A_61] {strides = array<i32>} : memref<4x128xf32, #tpu.memory_space<vmem>>, vector<1x16xf32>,
    %swap3A_63 = vector.shape_cast %swap3A_62 : vector<1x16xf32> to vector<16xf32>
    %swap3A_64 = vector.shape_cast %broadcast_in_dim3A_58 : vector<16xf32> to vector<1x16xf32>
    tpu.vector_store %arg4[%swap3A_60, %swap3A_61], %swap3A_64 {strides = array<i32>} : memref<4x128xf32, #tpu.memory_space<vmem>>, vector<1x16xf32>,
    %broadcast_in_dim3A_65 = arith.constant 0.000000e+00 : f32
    %broadcast_in_dim3A_66 = vector.broadcast %broadcast_in_dim3A_65 : f32 to vector<16xf32>
    %swap3A_67 = arith.constant 1 : i32
    %swap3A_68 = arith.index_cast %swap3A_67 : i32 to index
    %swap3A_69 = arith.constant 0 : index
    %swap3A_70 = tpu.vector_load %arg4[%swap3A_68, %swap3A_69] {strides = array<i32>} : memref<4x128xf32, #tpu.memory_space<vmem>>, vector<1x16xf32>,
    %swap3A_71 = vector.shape_cast %swap3A_70 : vector<1x16xf32> to vector<16xf32>
    %swap3A_72 = vector.shape_cast %broadcast_in_dim3A_66 : vector<16xf32> to vector<1x16xf32>
    tpu.vector_store %arg4[%swap3A_68, %swap3A_69], %swap3A_72 {strides = array<i32>} : memref<4x128xf32, #tpu.memory_space<vmem>>, vector<1x16xf32>,
    %broadcast_in_dim3A_73 = arith.constant 0.000000e+00 : f32
    %broadcast_in_dim3A_74 = vector.broadcast %broadcast_in_dim3A_73 : f32 to vector<16xf32>
    %swap3A_75 = arith.constant 1 : i32
    %swap3A_76 = arith.index_cast %swap3A_75 : i32 to index
    %swap3A_77 = arith.constant 16 : index
    %swap3A_78 = tpu.vector_load %arg4[%swap3A_76, %swap3A_77] {strides = array<i32>} : memref<4x128xf32, #tpu.memory_space<vmem>>, vector<1x16xf32>,
    %swap3A_79 = vector.shape_cast %swap3A_78 : vector<1x16xf32> to vector<16xf32>
    %swap3A_80 = vector.shape_cast %broadcast_in_dim3A_74 : vector<16xf32> to vector<1x16xf32>
    tpu.vector_store %arg4[%swap3A_76, %swap3A_77], %swap3A_80 {strides = array<i32>} : memref<4x128xf32, #tpu.memory_space<vmem>>, vector<1x16xf32>,
    %broadcast_in_dim3A_81 = arith.constant 0.000000e+00 : f32
    %broadcast_in_dim3A_82 = vector.broadcast %broadcast_in_dim3A_81 : f32 to vector<16xf32>
    %swap3A_83 = arith.constant 1 : i32
    %swap3A_84 = arith.index_cast %swap3A_83 : i32 to index
    %swap3A_85 = arith.constant 32 : index
    %swap3A_86 = tpu.vector_load %arg4[%swap3A_84, %swap3A_85] {strides = array<i32>} : memref<4x128xf32, #tpu.memory_space<vmem>>, vector<1x16xf32>,
    %swap3A_87 = vector.shape_cast %swap3A_86 : vector<1x16xf32> to vector<16xf32>
    %swap3A_88 = vector.shape_cast %broadcast_in_dim3A_82 : vector<16xf32> to vector<1x16xf32>
    tpu.vector_store %arg4[%swap3A_84, %swap3A_85], %swap3A_88 {strides = array<i32>} : memref<4x128xf32, #tpu.memory_space<vmem>>, vector<1x16xf32>,
    %broadcast_in_dim3A_89 = arith.constant 0.000000e+00 : f32
    %broadcast_in_dim3A_90 = vector.broadcast %broadcast_in_dim3A_89 : f32 to vector<16xf32>
    %swap3A_91 = arith.constant 1 : i32
    %swap3A_92 = arith.index_cast %swap3A_91 : i32 to index
    %swap3A_93 = arith.constant 48 : index
    %swap3A_94 = tpu.vector_load %arg4[%swap3A_92, %swap3A_93] {strides = array<i32>} : memref<4x128xf32, #tpu.memory_space<vmem>>, vector<1x16xf32>,
    %swap3A_95 = vector.shape_cast %swap3A_94 : vector<1x16xf32> to vector<16xf32>
    %swap3A_96 = vector.shape_cast %broadcast_in_dim3A_90 : vector<16xf32> to vector<1x16xf32>
    tpu.vector_store %arg4[%swap3A_92, %swap3A_93], %swap3A_96 {strides = array<i32>} : memref<4x128xf32, #tpu.memory_space<vmem>>, vector<1x16xf32>,
    %broadcast_in_dim3A_97 = arith.constant 0.000000e+00 : f32
    %broadcast_in_dim3A_98 = vector.broadcast %broadcast_in_dim3A_97 : f32 to vector<16xf32>
    %swap3A_99 = arith.constant 1 : i32
    %swap3A_100 = arith.index_cast %swap3A_99 : i32 to index
    %swap3A_101 = arith.constant 64 : index
    %swap3A_102 = tpu.vector_load %arg4[%swap3A_100, %swap3A_101] {strides = array<i32>} : memref<4x128xf32, #tpu.memory_space<vmem>>, vector<1x16xf32>,
    %swap3A_103 = vector.shape_cast %swap3A_102 : vector<1x16xf32> to vector<16xf32>
    %swap3A_104 = vector.shape_cast %broadcast_in_dim3A_98 : vector<16xf32> to vector<1x16xf32>
    tpu.vector_store %arg4[%swap3A_100, %swap3A_101], %swap3A_104 {strides = array<i32>} : memref<4x128xf32, #tpu.memory_space<vmem>>, vector<1x16xf32>,
    %broadcast_in_dim3A_105 = arith.constant 0.000000e+00 : f32
    %broadcast_in_dim3A_106 = vector.broadcast %broadcast_in_dim3A_105 : f32 to vector<16xf32>
    %swap3A_107 = arith.constant 1 : i32
    %swap3A_108 = arith.index_cast %swap3A_107 : i32 to index
    %swap3A_109 = arith.constant 80 : index
    %swap3A_110 = tpu.vector_load %arg4[%swap3A_108, %swap3A_109] {strides = array<i32>} : memref<4x128xf32, #tpu.memory_space<vmem>>, vector<1x16xf32>,
    %swap3A_111 = vector.shape_cast %swap3A_110 : vector<1x16xf32> to vector<16xf32>
    %swap3A_112 = vector.shape_cast %broadcast_in_dim3A_106 : vector<16xf32> to vector<1x16xf32>
    tpu.vector_store %arg4[%swap3A_108, %swap3A_109], %swap3A_112 {strides = array<i32>} : memref<4x128xf32, #tpu.memory_space<vmem>>, vector<1x16xf32>,
    %broadcast_in_dim3A_113 = arith.constant 0.000000e+00 : f32
    %broadcast_in_dim3A_114 = vector.broadcast %broadcast_in_dim3A_113 : f32 to vector<16xf32>
    %swap3A_115 = arith.constant 1 : i32
    %swap3A_116 = arith.index_cast %swap3A_115 : i32 to index
    %swap3A_117 = arith.constant 96 : index
    %swap3A_118 = tpu.vector_load %arg4[%swap3A_116, %swap3A_117] {strides = array<i32>} : memref<4x128xf32, #tpu.memory_space<vmem>>, vector<1x16xf32>,
    %swap3A_119 = vector.shape_cast %swap3A_118 : vector<1x16xf32> to vector<16xf32>
    %swap3A_120 = vector.shape_cast %broadcast_in_dim3A_114 : vector<16xf32> to vector<1x16xf32>
    tpu.vector_store %arg4[%swap3A_116, %swap3A_117], %swap3A_120 {strides = array<i32>} : memref<4x128xf32, #tpu.memory_space<vmem>>, vector<1x16xf32>,
    %broadcast_in_dim3A_121 = arith.constant 0.000000e+00 : f32
    %broadcast_in_dim3A_122 = vector.broadcast %broadcast_in_dim3A_121 : f32 to vector<16xf32>
    %swap3A_123 = arith.constant 1 : i32
    %swap3A_124 = arith.index_cast %swap3A_123 : i32 to index
    %swap3A_125 = arith.constant 112 : index
    %swap3A_126 = tpu.vector_load %arg4[%swap3A_124, %swap3A_125] {strides = array<i32>} : memref<4x128xf32, #tpu.memory_space<vmem>>, vector<1x16xf32>,
    %swap3A_127 = vector.shape_cast %swap3A_126 : vector<1x16xf32> to vector<16xf32>
    %swap3A_128 = vector.shape_cast %broadcast_in_dim3A_122 : vector<16xf32> to vector<1x16xf32>
    tpu.vector_store %arg4[%swap3A_124, %swap3A_125], %swap3A_128 {strides = array<i32>} : memref<4x128xf32, #tpu.memory_space<vmem>>, vector<1x16xf32>,
    %broadcast_in_dim3A_129 = arith.constant 0.000000e+00 : f32
    %broadcast_in_dim3A_130 = vector.broadcast %broadcast_in_dim3A_129 : f32 to vector<16xf32>
    %swap3A_131 = arith.constant 2 : i32
    %swap3A_132 = arith.index_cast %swap3A_131 : i32 to index
    %swap3A_133 = arith.constant 0 : index
    %swap3A_134 = tpu.vector_load %arg4[%swap3A_132, %swap3A_133] {strides = array<i32>} : memref<4x128xf32, #tpu.memory_space<vmem>>, vector<1x16xf32>,
    %swap3A_135 = vector.shape_cast %swap3A_134 : vector<1x16xf32> to vector<16xf32>
    %swap3A_136 = vector.shape_cast %broadcast_in_dim3A_130 : vector<16xf32> to vector<1x16xf32>
    tpu.vector_store %arg4[%swap3A_132, %swap3A_133], %swap3A_136 {strides = array<i32>} : memref<4x128xf32, #tpu.memory_space<vmem>>, vector<1x16xf32>,
    %broadcast_in_dim3A_137 = arith.constant 0.000000e+00 : f32
    %broadcast_in_dim3A_138 = vector.broadcast %broadcast_in_dim3A_137 : f32 to vector<16xf32>
    %swap3A_139 = arith.constant 2 : i32
    %swap3A_140 = arith.index_cast %swap3A_139 : i32 to index
    %swap3A_141 = arith.constant 16 : index
    %swap3A_142 = tpu.vector_load %arg4[%swap3A_140, %swap3A_141] {strides = array<i32>} : memref<4x128xf32, #tpu.memory_space<vmem>>, vector<1x16xf32>,
    %swap3A_143 = vector.shape_cast %swap3A_142 : vector<1x16xf32> to vector<16xf32>
    %swap3A_144 = vector.shape_cast %broadcast_in_dim3A_138 : vector<16xf32> to vector<1x16xf32>
    tpu.vector_store %arg4[%swap3A_140, %swap3A_141], %swap3A_144 {strides = array<i32>} : memref<4x128xf32, #tpu.memory_space<vmem>>, vector<1x16xf32>,
    %broadcast_in_dim3A_145 = arith.constant 0.000000e+00 : f32
    %broadcast_in_dim3A_146 = vector.broadcast %broadcast_in_dim3A_145 : f32 to vector<16xf32>
    %swap3A_147 = arith.constant 2 : i32
    %swap3A_148 = arith.index_cast %swap3A_147 : i32 to index
    %swap3A_149 = arith.constant 32 : index
    %swap3A_150 = tpu.vector_load %arg4[%swap3A_148, %swap3A_149] {strides = array<i32>} : memref<4x128xf32, #tpu.memory_space<vmem>>, vector<1x16xf32>,
    %swap3A_151 = vector.shape_cast %swap3A_150 : vector<1x16xf32> to vector<16xf32>
    %swap3A_152 = vector.shape_cast %broadcast_in_dim3A_146 : vector<16xf32> to vector<1x16xf32>
    tpu.vector_store %arg4[%swap3A_148, %swap3A_149], %swap3A_152 {strides = array<i32>} : memref<4x128xf32, #tpu.memory_space<vmem>>, vector<1x16xf32>,
    %broadcast_in_dim3A_153 = arith.constant 0.000000e+00 : f32
    %broadcast_in_dim3A_154 = vector.broadcast %broadcast_in_dim3A_153 : f32 to vector<16xf32>
    %swap3A_155 = arith.constant 2 : i32
    %swap3A_156 = arith.index_cast %swap3A_155 : i32 to index
    %swap3A_157 = arith.constant 48 : index
    %swap3A_158 = tpu.vector_load %arg4[%swap3A_156, %swap3A_157] {strides = array<i32>} : memref<4x128xf32, #tpu.memory_space<vmem>>, vector<1x16xf32>,
    %swap3A_159 = vector.shape_cast %swap3A_158 : vector<1x16xf32> to vector<16xf32>
    %swap3A_160 = vector.shape_cast %broadcast_in_dim3A_154 : vector<16xf32> to vector<1x16xf32>
    tpu.vector_store %arg4[%swap3A_156, %swap3A_157], %swap3A_160 {strides = array<i32>} : memref<4x128xf32, #tpu.memory_space<vmem>>, vector<1x16xf32>,
    %broadcast_in_dim3A_161 = arith.constant 0.000000e+00 : f32
    %broadcast_in_dim3A_162 = vector.broadcast %broadcast_in_dim3A_161 : f32 to vector<16xf32>
    %swap3A_163 = arith.constant 2 : i32
    %swap3A_164 = arith.index_cast %swap3A_163 : i32 to index
    %swap3A_165 = arith.constant 64 : index
    %swap3A_166 = tpu.vector_load %arg4[%swap3A_164, %swap3A_165] {strides = array<i32>} : memref<4x128xf32, #tpu.memory_space<vmem>>, vector<1x16xf32>,
    %swap3A_167 = vector.shape_cast %swap3A_166 : vector<1x16xf32> to vector<16xf32>
    %swap3A_168 = vector.shape_cast %broadcast_in_dim3A_162 : vector<16xf32> to vector<1x16xf32>
    tpu.vector_store %arg4[%swap3A_164, %swap3A_165], %swap3A_168 {strides = array<i32>} : memref<4x128xf32, #tpu.memory_space<vmem>>, vector<1x16xf32>,
    %broadcast_in_dim3A_169 = arith.constant 0.000000e+00 : f32
    %broadcast_in_dim3A_170 = vector.broadcast %broadcast_in_dim3A_169 : f32 to vector<16xf32>
    %swap3A_171 = arith.constant 2 : i32
    %swap3A_172 = arith.index_cast %swap3A_171 : i32 to index
    %swap3A_173 = arith.constant 80 : index
    %swap3A_174 = tpu.vector_load %arg4[%swap3A_172, %swap3A_173] {strides = array<i32>} : memref<4x128xf32, #tpu.memory_space<vmem>>, vector<1x16xf32>,
    %swap3A_175 = vector.shape_cast %swap3A_174 : vector<1x16xf32> to vector<16xf32>
    %swap3A_176 = vector.shape_cast %broadcast_in_dim3A_170 : vector<16xf32> to vector<1x16xf32>
    tpu.vector_store %arg4[%swap3A_172, %swap3A_173], %swap3A_176 {strides = array<i32>} : memref<4x128xf32, #tpu.memory_space<vmem>>, vector<1x16xf32>,
    %broadcast_in_dim3A_177 = arith.constant 0.000000e+00 : f32
    %broadcast_in_dim3A_178 = vector.broadcast %broadcast_in_dim3A_177 : f32 to vector<16xf32>
    %swap3A_179 = arith.constant 2 : i32
    %swap3A_180 = arith.index_cast %swap3A_179 : i32 to index
    %swap3A_181 = arith.constant 96 : index
    %swap3A_182 = tpu.vector_load %arg4[%swap3A_180, %swap3A_181] {strides = array<i32>} : memref<4x128xf32, #tpu.memory_space<vmem>>, vector<1x16xf32>,
    %swap3A_183 = vector.shape_cast %swap3A_182 : vector<1x16xf32> to vector<16xf32>
    %swap3A_184 = vector.shape_cast %broadcast_in_dim3A_178 : vector<16xf32> to vector<1x16xf32>
    tpu.vector_store %arg4[%swap3A_180, %swap3A_181], %swap3A_184 {strides = array<i32>} : memref<4x128xf32, #tpu.memory_space<vmem>>, vector<1x16xf32>,
    %broadcast_in_dim3A_185 = arith.constant 0.000000e+00 : f32
    %broadcast_in_dim3A_186 = vector.broadcast %broadcast_in_dim3A_185 : f32 to vector<16xf32>
    %swap3A_187 = arith.constant 2 : i32
    %swap3A_188 = arith.index_cast %swap3A_187 : i32 to index
    %swap3A_189 = arith.constant 112 : index
    %swap3A_190 = tpu.vector_load %arg4[%swap3A_188, %swap3A_189] {strides = array<i32>} : memref<4x128xf32, #tpu.memory_space<vmem>>, vector<1x16xf32>,
    %swap3A_191 = vector.shape_cast %swap3A_190 : vector<1x16xf32> to vector<16xf32>
    %swap3A_192 = vector.shape_cast %broadcast_in_dim3A_186 : vector<16xf32> to vector<1x16xf32>
    tpu.vector_store %arg4[%swap3A_188, %swap3A_189], %swap3A_192 {strides = array<i32>} : memref<4x128xf32, #tpu.memory_space<vmem>>, vector<1x16xf32>,
    %broadcast_in_dim3A_193 = arith.constant 0.000000e+00 : f32
    %broadcast_in_dim3A_194 = vector.broadcast %broadcast_in_dim3A_193 : f32 to vector<16xf32>
    %swap3A_195 = arith.constant 3 : i32
    %swap3A_196 = arith.index_cast %swap3A_195 : i32 to index
    %swap3A_197 = arith.constant 0 : index
    %swap3A_198 = tpu.vector_load %arg4[%swap3A_196, %swap3A_197] {strides = array<i32>} : memref<4x128xf32, #tpu.memory_space<vmem>>, vector<1x16xf32>,
    %swap3A_199 = vector.shape_cast %swap3A_198 : vector<1x16xf32> to vector<16xf32>
    %swap3A_200 = vector.shape_cast %broadcast_in_dim3A_194 : vector<16xf32> to vector<1x16xf32>
    tpu.vector_store %arg4[%swap3A_196, %swap3A_197], %swap3A_200 {strides = array<i32>} : memref<4x128xf32, #tpu.memory_space<vmem>>, vector<1x16xf32>,
    %broadcast_in_dim3A_201 = arith.constant 0.000000e+00 : f32
    %broadcast_in_dim3A_202 = vector.broadcast %broadcast_in_dim3A_201 : f32 to vector<16xf32>
    %swap3A_203 = arith.constant 3 : i32
    %swap3A_204 = arith.index_cast %swap3A_203 : i32 to index
    %swap3A_205 = arith.constant 16 : index
    %swap3A_206 = tpu.vector_load %arg4[%swap3A_204, %swap3A_205] {strides = array<i32>} : memref<4x128xf32, #tpu.memory_space<vmem>>, vector<1x16xf32>,
    %swap3A_207 = vector.shape_cast %swap3A_206 : vector<1x16xf32> to vector<16xf32>
    %swap3A_208 = vector.shape_cast %broadcast_in_dim3A_202 : vector<16xf32> to vector<1x16xf32>
    tpu.vector_store %arg4[%swap3A_204, %swap3A_205], %swap3A_208 {strides = array<i32>} : memref<4x128xf32, #tpu.memory_space<vmem>>, vector<1x16xf32>,
    %broadcast_in_dim3A_209 = arith.constant 0.000000e+00 : f32
    %broadcast_in_dim3A_210 = vector.broadcast %broadcast_in_dim3A_209 : f32 to vector<16xf32>
    %swap3A_211 = arith.constant 3 : i32
    %swap3A_212 = arith.index_cast %swap3A_211 : i32 to index
    %swap3A_213 = arith.constant 32 : index
    %swap3A_214 = tpu.vector_load %arg4[%swap3A_212, %swap3A_213] {strides = array<i32>} : memref<4x128xf32, #tpu.memory_space<vmem>>, vector<1x16xf32>,
    %swap3A_215 = vector.shape_cast %swap3A_214 : vector<1x16xf32> to vector<16xf32>
    %swap3A_216 = vector.shape_cast %broadcast_in_dim3A_210 : vector<16xf32> to vector<1x16xf32>
    tpu.vector_store %arg4[%swap3A_212, %swap3A_213], %swap3A_216 {strides = array<i32>} : memref<4x128xf32, #tpu.memory_space<vmem>>, vector<1x16xf32>,
    %broadcast_in_dim3A_217 = arith.constant 0.000000e+00 : f32
    %broadcast_in_dim3A_218 = vector.broadcast %broadcast_in_dim3A_217 : f32 to vector<16xf32>
    %swap3A_219 = arith.constant 3 : i32
    %swap3A_220 = arith.index_cast %swap3A_219 : i32 to index
    %swap3A_221 = arith.constant 48 : index
    %swap3A_222 = tpu.vector_load %arg4[%swap3A_220, %swap3A_221] {strides = array<i32>} : memref<4x128xf32, #tpu.memory_space<vmem>>, vector<1x16xf32>,
    %swap3A_223 = vector.shape_cast %swap3A_222 : vector<1x16xf32> to vector<16xf32>
    %swap3A_224 = vector.shape_cast %broadcast_in_dim3A_218 : vector<16xf32> to vector<1x16xf32>
    tpu.vector_store %arg4[%swap3A_220, %swap3A_221], %swap3A_224 {strides = array<i32>} : memref<4x128xf32, #tpu.memory_space<vmem>>, vector<1x16xf32>,
    %broadcast_in_dim3A_225 = arith.constant 0.000000e+00 : f32
    %broadcast_in_dim3A_226 = vector.broadcast %broadcast_in_dim3A_225 : f32 to vector<16xf32>
    %swap3A_227 = arith.constant 3 : i32
    %swap3A_228 = arith.index_cast %swap3A_227 : i32 to index
    %swap3A_229 = arith.constant 64 : index
    %swap3A_230 = tpu.vector_load %arg4[%swap3A_228, %swap3A_229] {strides = array<i32>} : memref<4x128xf32, #tpu.memory_space<vmem>>, vector<1x16xf32>,
    %swap3A_231 = vector.shape_cast %swap3A_230 : vector<1x16xf32> to vector<16xf32>
    %swap3A_232 = vector.shape_cast %broadcast_in_dim3A_226 : vector<16xf32> to vector<1x16xf32>
    tpu.vector_store %arg4[%swap3A_228, %swap3A_229], %swap3A_232 {strides = array<i32>} : memref<4x128xf32, #tpu.memory_space<vmem>>, vector<1x16xf32>,
    %broadcast_in_dim3A_233 = arith.constant 0.000000e+00 : f32
    %broadcast_in_dim3A_234 = vector.broadcast %broadcast_in_dim3A_233 : f32 to vector<16xf32>
    %swap3A_235 = arith.constant 3 : i32
    %swap3A_236 = arith.index_cast %swap3A_235 : i32 to index
    %swap3A_237 = arith.constant 80 : index
    %swap3A_238 = tpu.vector_load %arg4[%swap3A_236, %swap3A_237] {strides = array<i32>} : memref<4x128xf32, #tpu.memory_space<vmem>>, vector<1x16xf32>,
    %swap3A_239 = vector.shape_cast %swap3A_238 : vector<1x16xf32> to vector<16xf32>
    %swap3A_240 = vector.shape_cast %broadcast_in_dim3A_234 : vector<16xf32> to vector<1x16xf32>
    tpu.vector_store %arg4[%swap3A_236, %swap3A_237], %swap3A_240 {strides = array<i32>} : memref<4x128xf32, #tpu.memory_space<vmem>>, vector<1x16xf32>,
    %broadcast_in_dim3A_241 = arith.constant 0.000000e+00 : f32
    %broadcast_in_dim3A_242 = vector.broadcast %broadcast_in_dim3A_241 : f32 to vector<16xf32>
    %swap3A_243 = arith.constant 3 : i32
    %swap3A_244 = arith.index_cast %swap3A_243 : i32 to index
    %swap3A_245 = arith.constant 96 : index
    %swap3A_246 = tpu.vector_load %arg4[%swap3A_244, %swap3A_245] {strides = array<i32>} : memref<4x128xf32, #tpu.memory_space<vmem>>, vector<1x16xf32>,
    %swap3A_247 = vector.shape_cast %swap3A_246 : vector<1x16xf32> to vector<16xf32>
    %swap3A_248 = vector.shape_cast %broadcast_in_dim3A_242 : vector<16xf32> to vector<1x16xf32>
    tpu.vector_store %arg4[%swap3A_244, %swap3A_245], %swap3A_248 {strides = array<i32>} : memref<4x128xf32, #tpu.memory_space<vmem>>, vector<1x16xf32>,
    %broadcast_in_dim3A_249 = arith.constant 0.000000e+00 : f32
    %broadcast_in_dim3A_250 = vector.broadcast %broadcast_in_dim3A_249 : f32 to vector<16xf32>
    %swap3A_251 = arith.constant 3 : i32
    %swap3A_252 = arith.index_cast %swap3A_251 : i32 to index
    %swap3A_253 = arith.constant 112 : index
    %swap3A_254 = tpu.vector_load %arg4[%swap3A_252, %swap3A_253] {strides = array<i32>} : memref<4x128xf32, #tpu.memory_space<vmem>>, vector<1x16xf32>,
    %swap3A_255 = vector.shape_cast %swap3A_254 : vector<1x16xf32> to vector<16xf32>
    %swap3A_256 = vector.shape_cast %broadcast_in_dim3A_250 : vector<16xf32> to vector<1x16xf32>
    tpu.vector_store %arg4[%swap3A_252, %swap3A_253], %swap3A_256 {strides = array<i32>} : memref<4x128xf32, #tpu.memory_space<vmem>>, vector<1x16xf32>,
    "tpu.region"() ({
      %run_scoped3A = tpu.sem_alloc : memref<!tpu.dma_semaphore, #tpu.memory_space<semaphore_mem>>
      %dma_start3A = arith.constant 0 : i32
      %dma_start3A_257 = tpu.memref_slice %arg3[%mul3A_2, %dma_start3A] : memref<128x128xf32, #tpu.memory_space<hbm>> -> memref<4x128xf32, #tpu.memory_space<hbm>>
      %dma_start3A_258 = arith.constant 0 : i32
      %dma_start3A_259 = tpu.memref_slice %arg3[%mul3A_2, %dma_start3A_258] : memref<128x128xf32, #tpu.memory_space<hbm>> -> memref<4x128xf32, #tpu.memory_space<hbm>>
      tpu.enqueue_dma source(%arg4 : memref<4x128xf32, #tpu.memory_space<vmem>>) target(%dma_start3A_259 : memref<4x128xf32, #tpu.memory_space<hbm>>) target_semaphore(%run_scoped3A : memref<!tpu.dma_semaphore, #tpu.memory_space<semaphore_mem>>)
      %dma_wait3A = arith.constant 0 : i32
      %dma_wait3A_260 = tpu.memref_slice %arg3[%mul3A_2, %dma_wait3A] : memref<128x128xf32, #tpu.memory_space<hbm>> -> memref<4x128xf32, #tpu.memory_space<hbm>>
      %dma_wait3A_261 = arith.constant 0 : i32
      %dma_wait3A_262 = tpu.memref_slice %arg3[%mul3A_2, %dma_wait3A_261] : memref<128x128xf32, #tpu.memory_space<hbm>> -> memref<4x128xf32, #tpu.memory_space<hbm>>
      tpu.wait_dma2 semaphore(%run_scoped3A : memref<!tpu.dma_semaphore, #tpu.memory_space<semaphore_mem>>) src(%arg4 : memref<4x128xf32, #tpu.memory_space<vmem>>) dst(%dma_wait3A_262 : memref<4x128xf32, #tpu.memory_space<hbm>>)
      tpu.yield
    }) : () -> ()
    return
  }
}

</mosaic_0001>

<sc_bundles>
// kernel: kernel.3.cloned.1.call-start
scs
__scs_entry_jumppad:
0x0: {  	(pc) =	sbr.rel $0x88, $3  }
0x1: {  	(tag) =	ssettag $0x0;
	lr =	simm.s32 $0x1  }
0x2: {  	[smem:$0x3FA0] =	sst lr;
	_ =	strace $0xD0000000  }
0x3: {  	_ = 	snop  }
0x4: {  	_ = 	snop  }
0x5: {  	_ = 	snop  }
0x6: {  	_ = 	snop  }
0x7: {  	_ = 	snop  }
__scs_overlays_trampoline_lowered:
0x8: {  	[smem:$0x3FAF] =	sst s0  }
0x9: {  	[smem:$0x3FB0] =	sst s1  }
0xa: {  	[smem:$0x3FB1] =	sst s2  }
0xb: {  	[smem:$0x3FB2] =	sst s3  }
0xc: {  	[smem:$0x3FB3] =	sst s4  }
0xd: {  	[smem:$0x3FB4] =	sst s5  }
0xe: {  	[smem:$0x3FB5] =	sst s6  }
0xf: {  	[smem:$0x3FB6] =	sst s7  }
0x10: {  	[smem:$0x3FB7] =	sst s8  }
0x11: {  	[smem:$0x3FB8] =	sst s9;
	s0 =	simm.s32 @!p0 $0x0  }
0x12: {  	s1 =	sld [smem:$0x3F9E];
	s0 =	simm.s32 @p0 $0x1  }
0x13: {  	[smem:$0x3FB9] =	sst s0;
	s0 =	simm.s32 @!p1 $0x0  }
0x14: {  	s2 =	sld [smem:$0x3F9D];
	s0 =	simm.s32 @p1 $0x1  }
0x15: {  	[smem:$0x3FBA] =	sst s0;
	s0 =	simm.s32 @!p2 $0x0  }
0x16: {  	s3 =	sld [smem:$0x3FDB];
	s0 =	simm.s32 @p2 $0x1  }
0x17: {  	s4 =	simm.s32 $0x1BF5;
	[smem:$0x3FBC] =	sst s0  }
0x18: {  	s0 =	sld [smem:$0x3F9F];
	_ =	swait.ge [sflag:s4], $0x0  }
0x19: {  	s7 =	sld [smem:$0x3FA0]  }
0x1a: {  	s8 =	sadd.s32 $0xFFFFE003, lr  }
0x1b: {  	s9 =	sadd.s32 $0xFFFFFEF7, lr;
	s5 =	simm.s32 $0xFFFFFFFF;
	p2 =	slt.u32 s8, $0xFFFFF086  }
0x1c: {  	p1 =	slt.u32 s9, $0xF7A;
	s5 =	simm.s32 @!p2 $0x0  }
0x1d: {  	s5 =	simm.s32 @p1 $0x1;
	p0 =	seq.s32 s7, s2  }
0x1e: {  	s7 =	smul.u32 @!p0 $0xF7A, s2;
	p2 =	seq.s32 @!p0 s5, $0x0  }
0x1f: {  	s9 =	smul.u32 $0xF7A, s1;
	s8 =	simm.s32 @!p0 $0x1BF5;
	p2 =	por !p2, p0  }
0x20: {  	[sflag:s8] =	ssyncset.s32 @!p0 $0xFFFFF086;
	s6 =	sadd.s32 @!p0 s3, s7;
	s7 =	simm.s32 @!p0 $0x108  }
0x21: {  	s3 =	sadd.s32 s3, s9;
	s6 =	sadd.s32 @!p0 $0x88, s6;
	s7 =	simm.s32 @p2 $0x1082  }
0x22: {  	[simem:s7], [sflag:s8] =	dma.local @!p0 [hbm:s6], $0xF7A  }
0x23: {  	s9 =	sor.u32 $0xD0000000, s2;
	s6 =	simm.s32 $0x108;
	_ =	swait.ge @!p0 [sflag:s8], $0x0  }
0x24: {  	s3 =	sadd.s32 $0x88, s3;
	s6 =	simm.s32 @!p1 $0x1082;
	[sflag:s4] =	ssyncset.s32 $0xFFFFF086  }
0x25: {  	[simem:s6], [sflag:s4] =	dma.local [hbm:s3], $0xF7A  }
0x26: {  	[smem:$0x3FA0] =	sst s1;
	(tag) =	ssettag s2;
	_ =	strace s9  }
0x27: {  	s1 =	sld [smem:$0x3FB0]  }
0x28: {  	s2 =	sld [smem:$0x3FB1]  }
0x29: {  	s4 =	sld [smem:$0x3FB3]  }
0x2a: {  	p0 =	seq.s32 s5, $0x0;
	s5 =	sld [smem:$0x3FB4]  }
0x2b: {  	s6 =	sld [smem:$0x3FB5]  }
0x2c: {  	s7 =	sld [smem:$0x3FB6]  }
0x2d: {  	s3 =	simm.s32 $0x108;
	s8 =	sld [smem:$0x3FB7]  }
0x2e: {  	s3 =	simm.s32 @!p0 $0x1082;
	s9 =	sld [smem:$0x3FB8]  }
0x2f: {  	lr =	sadd.s32 s0, s3;
	s0 =	sld [smem:$0x3FAF]  }
0x30: {  	s3 =	sld [smem:$0x3FB2]  }
0x31: {  	[smem:$0x3FBB] =	sst s10  }
0x32: {  	s10 =	sld [smem:$0x3FB9];
	_ =	sdelay $0x3  }
0x33: {  	p0 =	seq.s32 s10, $0x1;
	s10 =	sld [smem:$0x3FBB];
	_ =	sdelay $0x3  }
0x34: {  	[smem:$0x3FBB] =	sst s10  }
0x35: {  	s10 =	sld [smem:$0x3FBA];
	_ =	sdelay $0x3  }
0x36: {  	p1 =	seq.s32 s10, $0x1;
	s10 =	sld [smem:$0x3FBB];
	_ =	sdelay $0x3  }
0x37: {  	[smem:$0x3FBB] =	sst s10  }
0x38: {  	s10 =	sld [smem:$0x3FBC]  }
0x39: {  	_ = 	snop;
	(pc) =	sbr.ind lr, $3  }
0x3a: {  	_ = 	snop  }
0x3b: {  	_ = 	snop  }
0x3c: {  	p2 =	seq.s32 s10, $0x1;
	s10 =	sld [smem:$0x3FBB]  }
0x3d: {  	_ =	shalt  }
0x3e: {  	_ =	shalt  }
0x3f: {  	_ =	shalt  }
0x40: {  	_ =	shalt  }
0x41: {  	_ =	shalt  }
0x42: {  	_ =	shalt  }
0x43: {  	_ =	shalt  }
0x44: {  	_ =	shalt  }
0x45: {  	_ =	shalt  }
0x46: {  	_ =	shalt  }
0x47: {  	_ =	shalt  }
0x48: {  	_ =	shalt  }
0x49: {  	_ =	shalt  }
0x4a: {  	_ =	shalt  }
0x4b: {  	_ =	shalt  }
0x4c: {  	_ =	shalt  }
0x4d: {  	_ =	shalt  }
0x4e: {  	_ =	shalt  }
0x4f: {  	_ =	shalt  }
0x50: {  	_ =	shalt  }
0x51: {  	_ =	shalt  }
0x52: {  	_ =	shalt  }
0x53: {  	_ =	shalt  }
0x54: {  	_ =	shalt  }
0x55: {  	_ =	shalt  }
0x56: {  	_ =	shalt  }
0x57: {  	_ =	shalt  }
0x58: {  	_ =	shalt  }
0x59: {  	_ =	shalt  }
0x5a: {  	_ =	shalt  }
0x5b: {  	_ =	shalt  }
0x5c: {  	_ =	shalt  }
0x5d: {  	_ =	shalt  }
0x5e: {  	_ =	shalt  }
0x5f: {  	_ =	shalt  }
0x60: {  	_ =	shalt  }
0x61: {  	_ =	shalt  }
0x62: {  	_ =	shalt  }
0x63: {  	_ =	shalt  }
0x64: {  	_ =	shalt  }
0x65: {  	_ =	shalt  }
0x66: {  	_ =	shalt  }
0x67: {  	_ =	shalt  }
0x68: {  	_ =	shalt  }
0x69: {  	_ =	shalt  }
0x6a: {  	_ =	shalt  }
0x6b: {  	_ =	shalt  }
0x6c: {  	_ =	shalt  }
0x6d: {  	_ =	shalt  }
0x6e: {  	_ =	shalt  }
0x6f: {  	_ =	shalt  }
0x70: {  	_ =	shalt  }
0x71: {  	_ =	shalt  }
0x72: {  	_ =	shalt  }
0x73: {  	_ =	shalt  }
0x74: {  	_ =	shalt  }
0x75: {  	_ =	shalt  }
0x76: {  	_ =	shalt  }
0x77: {  	_ =	shalt  }
0x78: {  	_ =	shalt  }
0x79: {  	_ =	shalt  }
0x7a: {  	_ =	shalt  }
0x7b: {  	_ =	shalt  }
0x7c: {  	_ =	shalt  }
0x7d: {  	_ =	shalt  }
0x7e: {  	_ =	shalt  }
0x7f: {  	_ =	shalt  }
0x80: {  	_ =	shalt  }
0x81: {  	_ =	shalt  }
0x82: {  	_ =	shalt  }
0x83: {  	_ =	shalt  }
0x84: {  	_ =	shalt  }
0x85: {  	_ =	shalt  }
0x86: {  	_ =	shalt  }
0x87: {  	_ =	shalt  }
.Lfunc_end0:
.L_simem_size_0:
called_computation_lowered:
.L_overlay_start_0:
0x88: {  	s2 =	sld [smem:$0x3FD9]  }
0x89: {  	s3 =	sld [smem:$0x3FFE];
	_ =	sdelay $0x1  }
0x8a: {  	s1 =	srdreg.scid  }
0x8b: {  	s0 =	sand.u32 $0x1, s1  }
0x8c: {  	s18 =	sshll.u32 s0, $0xA;
	s2 =	sadd.s32 s3, s2  }
0x8d: {  	s2 =	sadd.s32 s2, s18  }
0x8e: {  	[smem:$0x3FC7] =	sst s2  }
0x8f: {  	_ = 	snop  }
0x90: {  	s2 =	sld [smem:$0x3FD0];
	(tm) =	ssettm $0x1  }
0x91: {  	s19 =	sld [smem:$0x3FFB];
	_ =	sdelay $0x3  }
0x92: {  	_ =	strace s19  }
0x93: {  	s3 =	sld [smem:$0x3FFC];
	_ =	sdelay $0x3  }
0x94: {  	_ =	strace s3  }
0x95: {  	s3 =	sld [smem:$0x3FFD];
	_ =	sdelay $0x3  }
0x96: {  	_ =	strace s3  }
0x97: {  	_ =	strace $0x8FFFFFFF  }
0x98: {  	s20 =	sld [smem:$0x3FDB];
	_ =	sdelay $0x1  }
0x99: {  	s4 =	simm.s32 $_scs_section_size  }
0x9a: {  	s5 =	simm.s32 $_size__tile_overlayer_lowered;
	s6 =	simm.s32 $_tile_overlayer_lowered  }
0x9b: {  	s23 =	simm.s32 $0x1BFF;
	s22 =	sshll.u32 s6, $0x1;
	s3 =	sadd.s32 s4, s20  }
0x9c: {  	s7 =	simm.s32 $0x0;
	s21 =	sshll.u32 s5, $0x1;
	s5 =	sadd.s32 s22, s3  }
0x9d: {  	[timem:s7], [sflag:s23] =	dma.local [hbm:s5], s21  }
0x9e: {  	_ =	swait.ge [sflag:s23], s21  }
0x9f: {  	s4 =	ssub.s32 $0x0, s21;
	[sflag:s23] =	ssyncset.done $0x0  }
0xa0: {  	[sflag:s23] =	ssyncadd.s32 s4;
	_ =	sdelay $0x1  }
0xa1: {  	s24 =	simm.s32 $0x1B8B  }
0xa2: {  	_ =	swait.ge [sflag:s24], $0x1  }
0xa3: {  	[sflag:s24] =	ssyncset.done $0x0  }
0xa4: {  	s25 =	simm.s32 $0x1B8E;
	[sflag:s24] =	ssyncadd.s32 $0xFFFFFFFF  }
0xa5: {  	s26 =	simm.s32 $execute0_lowered;
	[smem:$0x3FD2] =	sst s25  }
0xa6: {  	s4 =	sshll.u32 s26, $0x1;
	_ =	strace $0x80000046;
	[dreg:$0x1] =	wrdreg $0xFFFFFFFF  }
0xa7: {  	s28 =	simm.s32 $_size_execute0_lowered;
	s3 =	sadd.s32 s3, s4;
	[dreg:$0x0] =	wrdreg $0x0  }
0xa8: {  	s4 =	sshll.u32 s28, $0x1;
	[dreg:$0x2] =	wrdreg s3  }
0xa9: {  	[dreg:$0x3] =	wrdreg s4  }
0xaa: {  	[dreg:$0x4] =	wrdreg $0xC0  }
0xab: {  	_ =	task [dreg:s7], $0x5FFFF  }
0xac: {  	[dreg:$0x1] =	wrdreg $0xFFFFFFFF  }
0xad: {  	[dreg:$0x0] =	wrdreg $0x60  }
0xae: {  	[dreg:$0x2] =	wrdreg s2  }
0xaf: {  	[dreg:$0x3] =	wrdreg $0x9  }
0xb0: {  	_ =	task.clear_ibuf [dreg:s7], $0x4FFFF;
	_ =	strace $0x90000046  }
0xb1: {  	s29 =	simm.s32 $0x9;
	_ =	strace $0x80000048  }
0xb2: {  	_ =	swait.ge [sflag:s29], $0x1  }
0xb3: {  	[sflag:s29] =	ssyncadd.s32 $0xFFFFFFFF  }
0xb4: {  	_ =	strace $0x90000048  }
0xb5: {  	_ =	sfence  }
0xb6: {  	s30 =	sld [smem:$0x0];
	_ =	sdelay $0x2  }
0xb7: {  	s31 =	sshll.u32 s1, $0xD;
	s1 =	sshrl.u32 s1, $0x2  }
0xb8: {  	s3 =	sand.u32 $0x4000, s31;
	s1 =	sadd.s32 s1, s30  }
0xb9: {  	s0 =	sor.u32 s3, s0;
	s1 =	sshll.u32 s1, $0x11  }
0xba: {  	s0 =	sor.u32 s1, s0  }
0xbb: {  	s0 =	sadd.s32 $0x8F2B, s0  }
0xbc: {  	[sflag:s0] =	ssyncadd.remote.s32 $0x1  }
0xbd: {  	_ =	sfence.sel $0xFFFF  }
0xbe: {  	[dreg:$0x0] =	wrdreg $0xFFFFFFFF;
	(pc) =	sbr.abs _section_cstart, $3  }
0xbf: {  	[dreg:$0x1] =	wrdreg $0xFFFFFFFF  }
0xc0: {  	_ =	task.clear_ibuf [dreg:s7], $0x2FFFF;
	_ =	strace $0x9FFFFFFF  }
0xc1: {  	(tm) =	ssettm $0x7FFFFFFF  }
tec
execute0_lowered:
.L_overlay_start_1:
0x0: {  	(tag) =	ssettag $0x1  }
0x1: {  	s3 =	rddreg [dreg:$0x0];
	s1 =	simm.s32 $0x0  }
0x2: {  	v0 =	vimm.f32 $0.0e+00;
	[smem:$0x7FF] =	sst s1  }
0x3: {  	s0 =	rddreg [dreg:$0x1];
	_ =	strace $0x80000047;
	[tilespmem:$0x0] =	vst v0  }
0x4: {  	[tilespmem:$0x1F0] =	vst v0  }
0x5: {  	[tilespmem:$0x1E0] =	vst v0  }
0x6: {  	[tilespmem:$0x1D0] =	vst v0  }
0x7: {  	[tilespmem:$0x1C0] =	vst v0  }
0x8: {  	[tilespmem:$0x1B0] =	vst v0  }
0x9: {  	[tilespmem:$0x1A0] =	vst v0  }
0xa: {  	[tilespmem:$0x190] =	vst v0  }
0xb: {  	[tilespmem:$0x180] =	vst v0  }
0xc: {  	[tilespmem:$0x170] =	vst v0  }
0xd: {  	[tilespmem:$0x160] =	vst v0  }
0xe: {  	[tilespmem:$0x150] =	vst v0  }
0xf: {  	[tilespmem:$0x140] =	vst v0  }
0x10: {  	[tilespmem:$0x130] =	vst v0  }
0x11: {  	[tilespmem:$0x120] =	vst v0  }
0x12: {  	[tilespmem:$0x110] =	vst v0  }
0x13: {  	[tilespmem:$0x100] =	vst v0  }
0x14: {  	[tilespmem:$0xF0] =	vst v0  }
0x15: {  	[tilespmem:$0xE0] =	vst v0  }
0x16: {  	[tilespmem:$0xD0] =	vst v0  }
0x17: {  	[tilespmem:$0xC0] =	vst v0  }
0x18: {  	[tilespmem:$0xB0] =	vst v0  }
0x19: {  	s2 =	srdreg.scid;
	[tilespmem:$0xA0] =	vst v0  }
0x1a: {  	s4 =	sand.u32 $0x1, s2;
	[tilespmem:$0x90] =	vst v0  }
0x1b: {  	[tilespmem:$0x80] =	vst v0;
	s5 =	ssub.s32 $0x2, s4  }
0x1c: {  	[tilespmem:$0x70] =	vst v0;
	s6 =	sshrl.u32 s5, $0x1  }
0x1d: {  	[tilespmem:$0x60] =	vst v0;
	s5 =	ssub.s32 s5, s6  }
0x1e: {  	[tilespmem:$0x50] =	vst v0;
	s5 =	smax.u32 s5, $0x1  }
0x1f: {  	[tilespmem:$0x40] =	vst v0;
	p0 =	sne.s32 s5, $0x1  }
.Ltmp0:
0x20: {  	s2 =	stileid.u32;
	s4 =	sshll.u32 s4, $0x6;
	[tilespmem:$0x30] =	vst v0;
	(pc) =	sbr.rel @!p0 .LBB2_2-.Ltmp0, $4  }
0x21: {  	s31 =	sshll.u32 s2, $0x7;
	[tilespmem:$0x20] =	vst v0;
	s3 =	sadd.s32 s3, s4  }
0x22: {  	[tilespmem:$0x10] =	vst v0;
	s4 =	simm.s32 $0x1;
	s3 =	sadd.s32 s31, s3  }
0x23: {  	[hbm4b:s3+s1] =	stream.linear.scatter [tilespmem:s1], [sflag:$0x1], $0x200, $0x38;
	[tilespmem:$0x200] =	vst v63  }
0x24: {  	_ =	swait.ge [sflag:s4], $0x200;
	s5 =	sadd.s32 $0xFFFFFFFF, s5  }
.LBB2_1:
0x25: {  	p0 =	sne.s32 s5, $0x1;
	[sflag:s4] =	ssyncset.done $0x0  }
0x26: {  	[sflag:s4] =	ssyncadd.s32 $0xFFFFFE00  }
0x27: {  	[tilespmem:$0x0] =	vst v0  }
0x28: {  	[tilespmem:$0x1F0] =	vst v0  }
0x29: {  	[tilespmem:$0x1E0] =	vst v0  }
0x2a: {  	[tilespmem:$0x1D0] =	vst v0  }
0x2b: {  	[tilespmem:$0x1C0] =	vst v0  }
0x2c: {  	[tilespmem:$0x1B0] =	vst v0  }
0x2d: {  	[tilespmem:$0x1A0] =	vst v0  }
0x2e: {  	[tilespmem:$0x190] =	vst v0  }
0x2f: {  	[tilespmem:$0x180] =	vst v0  }
0x30: {  	[tilespmem:$0x170] =	vst v0  }
0x31: {  	[tilespmem:$0x160] =	vst v0  }
0x32: {  	[tilespmem:$0x150] =	vst v0  }
0x33: {  	[tilespmem:$0x140] =	vst v0  }
0x34: {  	[tilespmem:$0x130] =	vst v0  }
0x35: {  	[tilespmem:$0x120] =	vst v0  }
0x36: {  	[tilespmem:$0x110] =	vst v0  }
0x37: {  	[tilespmem:$0x100] =	vst v0  }
0x38: {  	[tilespmem:$0xF0] =	vst v0  }
0x39: {  	[tilespmem:$0xE0] =	vst v0  }
0x3a: {  	[tilespmem:$0xD0] =	vst v0  }
0x3b: {  	[tilespmem:$0xC0] =	vst v0  }
0x3c: {  	[tilespmem:$0xB0] =	vst v0  }
0x3d: {  	[tilespmem:$0xA0] =	vst v0  }
0x3e: {  	[tilespmem:$0x90] =	vst v0  }
0x3f: {  	[tilespmem:$0x80] =	vst v0  }
0x40: {  	[tilespmem:$0x70] =	vst v0  }
0x41: {  	[tilespmem:$0x60] =	vst v0  }
0x42: {  	[tilespmem:$0x50] =	vst v0  }
.Ltmp1:
0x43: {  	[tilespmem:$0x40] =	vst v0;
	(pc) =	sbr.rel @p0 .LBB2_1-.Ltmp1, $4  }
0x44: {  	[tilespmem:$0x30] =	vst v0  }
0x45: {  	[tilespmem:$0x20] =	vst v0  }
0x46: {  	[tilespmem:$0x10] =	vst v0;
	[hbm4b:s3+s1] =	stream.linear.scatter [tilespmem:s1], [sflag:$0x1], $0x200, $0x38  }
0x47: {  	s5 =	sadd.s32 $0xFFFFFFFF, s5;
	_ =	swait.ge [sflag:s4], $0x200  }
.LBB2_2:
0x48: {  	[sflag:s4] =	ssyncset.done $0x0  }
0x49: {  	[sflag:s4] =	ssyncadd.s32 $0xFFFFFE00  }
0x4a: {  	_ =	sfence.sel $0x180000  }
0x4b: {  	[bflag:$0x0] =	sbarrier.arrive $0xFFFF  }
0x4c: {  	p0 =	sne.s32 s2, $0x0;
	_ =	strace $0x90000047  }
0x4d: {  	s0 =	sadd.s32 @!p0 $0x100000, s0;
	[bflag:$0x2] =	sbarrier.arrive $0xFFFF  }
0x4e: {  	[sflag:s0] =	ssyncadd.tile.s32 @!p0 $0x1;
	_ =	shalt  }
.Lfunc_end2:
_tile_overlayer_lowered:
.L_overlay_start_2:
0x4f: {  	(tag) =	ssettag $0x2  }
0x50: {  	s0 =	rddreg [dreg:$0x0];
	s2 =	stileid.u32  }
0x51: {  	s1 =	rddreg [dreg:$0x1];
	p0 =	sne.s32 s2, $0x0  }
0x52: {  	s3 =	rddreg [dreg:$0x2];
	[bflag:$0x3] =	sbarrier.arrive $0xFFFF;
	s2 =	simm.s32 @!p0 $0x1C01  }
0x53: {  	[timem:s3], [sflag:s2] =	dma.local @!p0 [hbm:s0], s1  }
0x54: {  	s0 =	simm.s32 @!p0 $0x1  }
0x55: {  	_ =	swait.ge @!p0 [sflag:s0], s1  }
0x56: {  	s1 =	ssub.s32 @!p0 $0x0, s1;
	[sflag:s0] =	ssyncset.done @!p0 $0x0  }
0x57: {  	[sflag:s0] =	ssyncadd.s32 @!p0 s1  }
0x58: {  	[bflag:$0x3] =	sbarrier.arrive $0xFFFF  }
0x59: {  	_ =	shalt  }

</sc_bundles>
